<compile_context>
chip_gen: v7x
topology: tpu7x:2x2x1
jax: 0.10.2.dev20260603
libtpu: 0.0.44.dev20260713+nightly
codegen_flags: <defaults>
</compile_context>

<pallas_src>
import jax
import jax.numpy as jnp
from jax import lax
from jax.experimental import pallas as pl
from jax.experimental.pallas import tpu as pltpu
from jax.experimental.pallas import tpu_sc as plsc

_L = 16
_NW = 32


def _gather_body(ids_hbm, tok_hbm, out_hbm, idx_v, rows_v, osem, *gsems):
    b, seq_len = ids_hbm.shape
    h = tok_hbm.shape[1]
    t_per = (b * seq_len) // _NW
    n_grp = t_per // h
    chunks_per_seq = seq_len // t_per

    wid = lax.axis_index("s") * 2 + lax.axis_index("c")
    bi = wid // chunks_per_seq
    s0 = lax.rem(wid, chunks_per_seq) * t_per
    base = wid * t_per

    pltpu.sync_copy(ids_hbm.at[bi, pl.ds(s0, t_per)], idx_v)

    copies = []
    for k in range(n_grp):
        copies.append(pltpu.async_copy(
            tok_hbm.at[idx_v.at[pl.ds(k * h, h)]],
            rows_v.at[pl.ds(k * h, h)], gsems[k]))
    out_cps = []
    for k in range(n_grp):
        copies[k].wait()
        out_cps.append(pltpu.async_copy(
            rows_v.at[pl.ds(k * h, h)],
            out_hbm.at[pl.ds(base + k * h, h)], osem))
    for c in out_cps:
        c.wait()


def _ln_body(tok_ref, ps_ref, gam_ref, bet_ref, out_ref):
    e = tok_ref[...] + ps_ref[...]
    mean = jnp.mean(e, axis=-1, keepdims=True)
    c = e - mean
    var = jnp.mean(c * c, axis=-1, keepdims=True)
    r = lax.rsqrt(var + jnp.float32(1e-5))
    out_ref[...] = c * r * gam_ref[...] + bet_ref[...]


def kernel(input_ids, token_type_ids, tok_table, pos_table, seg_table,
           gamma, beta):
    b, s = input_ids.shape
    v, h = tok_table.shape
    n = b * s
    t_per = n // _NW
    ids = input_ids.astype(jnp.int32)

    mesh = plsc.VectorSubcoreMesh(core_axis_name="c", subcore_axis_name="s")
    tok_rows = pl.kernel(
        _gather_body,
        out_type=jax.ShapeDtypeStruct((n, h), jnp.float32),
        mesh=mesh,
        scratch_types=[
            pltpu.VMEM((t_per,), jnp.int32),
            pltpu.VMEM((t_per, h), jnp.float32),
            pltpu.SemaphoreType.DMA,
        ] + [pltpu.SemaphoreType.DMA] * (t_per // h),
    )(ids, tok_table)

    posseg = (pos_table[None, :, :]
              + jnp.where((token_type_ids == 0)[..., None],
                          seg_table[0], seg_table[1])).reshape(n, h)

    br = 4096
    out = pl.pallas_call(
        _ln_body,
        grid=(n // br,),
        in_specs=[
            pl.BlockSpec((br, h), lambda i: (i, 0)),
            pl.BlockSpec((br, h), lambda i: (i, 0)),
            pl.BlockSpec((1, h), lambda i: (0, 0)),
            pl.BlockSpec((1, h), lambda i: (0, 0)),
        ],
        out_specs=pl.BlockSpec((br, h), lambda i: (i, 0)),
        out_shape=jax.ShapeDtypeStruct((n, h), jnp.float32),
    )(tok_rows, posseg, gamma.reshape(1, h), beta.reshape(1, h))
    return out.reshape(b, s, h)

# --- scband reference (transcript-rebuilt; emitter-appended) ---
"""Pipeline reference for scband-bert-embeddings-47768626266686 (READ-ONLY COPY).

The authoritative reference and input builder live on the scoring server;
editing this copy changes nothing except your own understanding.
"""

import jax, jax.numpy as jnp
import numpy as np

VOCAB = 100000
HIDDEN = 128
MAX_POS = 2048
TYPE_VOCAB = 2
B, S = 4, 2048


def setup_inputs(seed: int = 0) -> dict:
    key = jax.random.key(seed)
    k1, k2, k3, k4, k5 = jax.random.split(key, 5)
    input_ids = jax.random.randint(k1, (B, S), 0, VOCAB, dtype=jnp.int64 if jax.config.jax_enable_x64 else jnp.int32)
    token_type_ids = jax.random.randint(k2, (B, S), 0, TYPE_VOCAB, dtype=input_ids.dtype)
    tok_table = jax.random.normal(k3, (VOCAB, HIDDEN), dtype=jnp.float32) * 0.02
    pos_table = jax.random.normal(k4, (MAX_POS, HIDDEN), dtype=jnp.float32) * 0.02
    seg_table = jax.random.normal(k5, (TYPE_VOCAB, HIDDEN), dtype=jnp.float32) * 0.02
    gamma = jnp.ones((HIDDEN,), dtype=jnp.float32)
    beta = jnp.zeros((HIDDEN,), dtype=jnp.float32)
    return {"input_ids": input_ids, "token_type_ids": token_type_ids,
            "tok_table": tok_table, "pos_table": pos_table, "seg_table": seg_table,
            "gamma": gamma, "beta": beta}


def reference(input_ids, token_type_ids, tok_table, pos_table, seg_table, gamma, beta):
    b, s = input_ids.shape
    position_ids = jnp.broadcast_to(jnp.arange(s, dtype=input_ids.dtype)[None, :], (b, s))
    token_emb = jnp.take(tok_table, input_ids, axis=0)
    pos_emb = jnp.take(pos_table, position_ids, axis=0)
    seg_emb = jnp.take(seg_table, token_type_ids, axis=0)
    embeddings = token_emb + pos_emb + seg_emb
    mean = jnp.mean(embeddings, axis=-1, keepdims=True)
    var = jnp.mean(jnp.square(embeddings - mean), axis=-1, keepdims=True)
    normed = (embeddings - mean) / jnp.sqrt(var + 1e-5)
    out = normed * gamma + beta
    # dropout is identity in eval/reference mode
    return out

if __name__ == "__main__":
    import jax
    _d = setup_inputs()
    print(jax.jit(kernel)(*tuple(_d.values())))

</pallas_src>

<mosaic_0001>
#map = affine_map<(d0, d1) -> (0, 0)>
module attributes {stable_mosaic.version = 14 : i64} {
  func.func @_gather_body(%arg0: i32, %arg1: i32, %arg2: memref<4x2048xi32, #tpu.memory_space<hbm>>, %arg3: memref<100000x128xf32, #tpu.memory_space<hbm>>, %arg4: memref<8192x128xf32, #tpu.memory_space<hbm>>, %arg5: memref<256xi32, #tpu.memory_space<vmem>>, %arg6: memref<256x128xf32, #tpu.memory_space<vmem>>, %arg7: memref<!tpu.dma_semaphore, #tpu.memory_space<semaphore_mem>>, %arg8: memref<!tpu.dma_semaphore, #tpu.memory_space<semaphore_mem>>, %arg9: memref<!tpu.dma_semaphore, #tpu.memory_space<semaphore_mem>>) attributes {dimension_semantics = [#tpu.dimension_semantics<core_parallel>, #tpu.dimension_semantics<subcore_parallel>], iteration_bounds = array<i64: 2, 16>, scalar_prefetch = 0 : i64, scratch_operands = 5 : i64, tpu.core_type = #tpu.core_type<sc_vector_subcore>, window_params = [{transform_indices = #map}, {transform_indices = #map}, {transform_indices = #map}]} {
    %mul3A = arith.constant 2 : i32
    %mul3A_0 = arith.muli %arg1, %mul3A : i32
    %add3A = arith.addi %mul3A_0, %arg0 : i32
    %jit3A = arith.constant 8 : i32
    %div3A = arith.divsi %add3A, %jit3A : i32
    %sign3A = arith.constant 0 : i32
    %sign3A_1 = arith.cmpi sgt, %add3A, %sign3A : i32
    %sign3A_2 = arith.extui %sign3A_1 : i1 to i32
    %sign3A_3 = arith.constant 0 : i32
    %sign3A_4 = arith.cmpi slt, %add3A, %sign3A_3 : i32
    %sign3A_5 = arith.extui %sign3A_4 : i1 to i32
    %sign3A_6 = arith.subi %sign3A_2, %sign3A_5 : i32
    %sign3A_7 = arith.constant 0 : i32
    %sign3A_8 = arith.cmpi sgt, %jit3A, %sign3A_7 : i32
    %sign3A_9 = arith.extui %sign3A_8 : i1 to i32
    %sign3A_10 = arith.constant 0 : i32
    %sign3A_11 = arith.cmpi slt, %jit3A, %sign3A_10 : i32
    %sign3A_12 = arith.extui %sign3A_11 : i1 to i32
    %sign3A_13 = arith.subi %sign3A_9, %sign3A_12 : i32
    %ne3A = arith.cmpi ne, %sign3A_6, %sign3A_13 : i32
    %rem3A = arith.remsi %add3A, %jit3A : i32
    %ne3A_14 = arith.constant 0 : i32
    %ne3A_15 = arith.cmpi ne, %rem3A, %ne3A_14 : i32
    %and3A = arith.andi %ne3A, %ne3A_15 : i1
    %sub3A = arith.constant 1 : i32
    %sub3A_16 = arith.subi %div3A, %sub3A : i32
    %select_n3A = arith.select %and3A, %sub3A_16, %div3A : i32
    %rem3A_17 = arith.constant 8 : i32
    %rem3A_18 = arith.remsi %add3A, %rem3A_17 : i32
    %mul3A_19 = arith.constant 256 : i32
    %mul3A_20 = arith.muli %rem3A_18, %mul3A_19 : i32
    %mul3A_21 = arith.constant 256 : i32
    %mul3A_22 = arith.muli %add3A, %mul3A_21 : i32
    "tpu.region"() ({
      %run_scoped3A = tpu.sem_alloc : memref<!tpu.dma_semaphore, #tpu.memory_space<semaphore_mem>>
      %dma_start3A_97 = tpu.memref_slice %arg2[%select_n3A, %mul3A_20] : memref<4x2048xi32, #tpu.memory_space<hbm>> -> memref<1x256xi32, #tpu.memory_space<hbm>>
      %dma_start3A_98 = tpu.memref_squeeze %dma_start3A_97 : memref<1x256xi32, #tpu.memory_space<hbm>> -> memref<256xi32, #tpu.memory_space<hbm>>
      %dma_start3A_99 = tpu.memref_slice %arg2[%select_n3A, %mul3A_20] : memref<4x2048xi32, #tpu.memory_space<hbm>> -> memref<1x256xi32, #tpu.memory_space<hbm>>
      %dma_start3A_100 = tpu.memref_squeeze %dma_start3A_99 : memref<1x256xi32, #tpu.memory_space<hbm>> -> memref<256xi32, #tpu.memory_space<hbm>>
      tpu.enqueue_dma source(%dma_start3A_100 : memref<256xi32, #tpu.memory_space<hbm>>) target(%arg5 : memref<256xi32, #tpu.memory_space<vmem>>) target_semaphore(%run_scoped3A : memref<!tpu.dma_semaphore, #tpu.memory_space<semaphore_mem>>)
      %dma_wait3A_101 = tpu.memref_slice %arg2[%select_n3A, %mul3A_20] : memref<4x2048xi32, #tpu.memory_space<hbm>> -> memref<1x256xi32, #tpu.memory_space<hbm>>
      %dma_wait3A_102 = tpu.memref_squeeze %dma_wait3A_101 : memref<1x256xi32, #tpu.memory_space<hbm>> -> memref<256xi32, #tpu.memory_space<hbm>>
      %dma_wait3A_103 = tpu.memref_slice %arg2[%select_n3A, %mul3A_20] : memref<4x2048xi32, #tpu.memory_space<hbm>> -> memref<1x256xi32, #tpu.memory_space<hbm>>
      %dma_wait3A_104 = tpu.memref_squeeze %dma_wait3A_103 : memref<1x256xi32, #tpu.memory_space<hbm>> -> memref<256xi32, #tpu.memory_space<hbm>>
      tpu.wait_dma2 semaphore(%run_scoped3A : memref<!tpu.dma_semaphore, #tpu.memory_space<semaphore_mem>>) src(%dma_wait3A_104 : memref<256xi32, #tpu.memory_space<hbm>>) dst(%arg5 : memref<256xi32, #tpu.memory_space<vmem>>)
      tpu.yield
    }) : () -> ()
    %dma_start3A = arith.constant 0 : i32
    %dma_start3A_23 = arith.constant 0 : i32
    %dma_start3A_24 = tpu.memref_slice %arg6[%dma_start3A, %dma_start3A_23] : memref<256x128xf32, #tpu.memory_space<vmem>> -> memref<128x128xf32, #tpu.memory_space<vmem>>
    %dma_start3A_25 = arith.constant 0 : i32
    %dma_start3A_26 = tpu.memref_slice %arg5[%dma_start3A_25] : memref<256xi32, #tpu.memory_space<vmem>> -> memref<128xi32, #tpu.memory_space<vmem>>
    %dma_start3A_27 = arith.constant 0 : i32
    %dma_start3A_28 = arith.constant 0 : i32
    %dma_start3A_29 = tpu.memref_slice %arg3[%dma_start3A_27, %dma_start3A_28] : memref<100000x128xf32, #tpu.memory_space<hbm>> -> memref<100000x128xf32, #tpu.memory_space<hbm>>
    tpu.enqueue_indirect_dma source(%dma_start3A_29 : memref<100000x128xf32, #tpu.memory_space<hbm>>) target(%dma_start3A_24 : memref<128x128xf32, #tpu.memory_space<vmem>>) offsets(%dma_start3A_26 : memref<128xi32, #tpu.memory_space<vmem>>) semaphore(%arg8 : memref<!tpu.dma_semaphore, #tpu.memory_space<semaphore_mem>>)
    %dma_start3A_30 = arith.constant 128 : i32
    %dma_start3A_31 = arith.constant 0 : i32
    %dma_start3A_32 = tpu.memref_slice %arg6[%dma_start3A_30, %dma_start3A_31] : memref<256x128xf32, #tpu.memory_space<vmem>> -> memref<128x128xf32, #tpu.memory_space<vmem>>
    %dma_start3A_33 = arith.constant 128 : i32
    %dma_start3A_34 = tpu.memref_slice %arg5[%dma_start3A_33] : memref<256xi32, #tpu.memory_space<vmem>> -> memref<128xi32, #tpu.memory_space<vmem>>
    %dma_start3A_35 = arith.constant 0 : i32
    %dma_start3A_36 = arith.constant 0 : i32
    %dma_start3A_37 = tpu.memref_slice %arg3[%dma_start3A_35, %dma_start3A_36] : memref<100000x128xf32, #tpu.memory_space<hbm>> -> memref<100000x128xf32, #tpu.memory_space<hbm>>
    tpu.enqueue_indirect_dma source(%dma_start3A_37 : memref<100000x128xf32, #tpu.memory_space<hbm>>) target(%dma_start3A_32 : memref<128x128xf32, #tpu.memory_space<vmem>>) offsets(%dma_start3A_34 : memref<128xi32, #tpu.memory_space<vmem>>) semaphore(%arg9 : memref<!tpu.dma_semaphore, #tpu.memory_space<semaphore_mem>>)
    %dma_wait3A = arith.constant 0 : i32
    %dma_wait3A_38 = arith.constant 0 : i32
    %dma_wait3A_39 = tpu.memref_slice %arg6[%dma_wait3A, %dma_wait3A_38] : memref<256x128xf32, #tpu.memory_space<vmem>> -> memref<128x128xf32, #tpu.memory_space<vmem>>
    %dma_wait3A_40 = arith.constant 0 : i32
    %dma_wait3A_41 = tpu.memref_slice %arg5[%dma_wait3A_40] : memref<256xi32, #tpu.memory_space<vmem>> -> memref<128xi32, #tpu.memory_space<vmem>>
    %dma_wait3A_42 = arith.constant 0 : i32
    %dma_wait3A_43 = arith.constant 0 : i32
    %dma_wait3A_44 = tpu.memref_slice %arg3[%dma_wait3A_42, %dma_wait3A_43] : memref<100000x128xf32, #tpu.memory_space<hbm>> -> memref<100000x128xf32, #tpu.memory_space<hbm>>
    tpu.wait_indirect_dma semaphore(%arg8 : memref<!tpu.dma_semaphore, #tpu.memory_space<semaphore_mem>>) src(%dma_wait3A_44 : memref<100000x128xf32, #tpu.memory_space<hbm>>) dst(%dma_wait3A_39 : memref<128x128xf32, #tpu.memory_space<vmem>>)
    %add3A_45 = arith.constant 0 : i32
    %add3A_46 = arith.addi %mul3A_22, %add3A_45 : i32
    %dma_start3A_47 = arith.constant 0 : i32
    %dma_start3A_48 = arith.constant 0 : i32
    %dma_start3A_49 = tpu.memref_slice %arg6[%dma_start3A_47, %dma_start3A_48] : memref<256x128xf32, #tpu.memory_space<vmem>> -> memref<128x128xf32, #tpu.memory_space<vmem>>
    %dma_start3A_50 = arith.constant 0 : i32
    %dma_start3A_51 = tpu.memref_slice %arg4[%add3A_46, %dma_start3A_50] : memref<8192x128xf32, #tpu.memory_space<hbm>> -> memref<128x128xf32, #tpu.memory_space<hbm>>
    %dma_start3A_52 = arith.constant 0 : i32
    %dma_start3A_53 = tpu.memref_slice %arg4[%add3A_46, %dma_start3A_52] : memref<8192x128xf32, #tpu.memory_space<hbm>> -> memref<128x128xf32, #tpu.memory_space<hbm>>
    %dma_start3A_54 = arith.constant 0 : i32
    %dma_start3A_55 = arith.constant 0 : i32
    %dma_start3A_56 = tpu.memref_slice %arg6[%dma_start3A_54, %dma_start3A_55] : memref<256x128xf32, #tpu.memory_space<vmem>> -> memref<128x128xf32, #tpu.memory_space<vmem>>
    tpu.enqueue_dma source(%dma_start3A_56 : memref<128x128xf32, #tpu.memory_space<vmem>>) target(%dma_start3A_53 : memref<128x128xf32, #tpu.memory_space<hbm>>) target_semaphore(%arg7 : memref<!tpu.dma_semaphore, #tpu.memory_space<semaphore_mem>>)
    %dma_wait3A_57 = arith.constant 128 : i32
    %dma_wait3A_58 = arith.constant 0 : i32
    %dma_wait3A_59 = tpu.memref_slice %arg6[%dma_wait3A_57, %dma_wait3A_58] : memref<256x128xf32, #tpu.memory_space<vmem>> -> memref<128x128xf32, #tpu.memory_space<vmem>>
    %dma_wait3A_60 = arith.constant 128 : i32
    %dma_wait3A_61 = tpu.memref_slice %arg5[%dma_wait3A_60] : memref<256xi32, #tpu.memory_space<vmem>> -> memref<128xi32, #tpu.memory_space<vmem>>
    %dma_wait3A_62 = arith.constant 0 : i32
    %dma_wait3A_63 = arith.constant 0 : i32
    %dma_wait3A_64 = tpu.memref_slice %arg3[%dma_wait3A_62, %dma_wait3A_63] : memref<100000x128xf32, #tpu.memory_space<hbm>> -> memref<100000x128xf32, #tpu.memory_space<hbm>>
    tpu.wait_indirect_dma semaphore(%arg9 : memref<!tpu.dma_semaphore, #tpu.memory_space<semaphore_mem>>) src(%dma_wait3A_64 : memref<100000x128xf32, #tpu.memory_space<hbm>>) dst(%dma_wait3A_59 : memref<128x128xf32, #tpu.memory_space<vmem>>)
    %add3A_65 = arith.constant 128 : i32
    %add3A_66 = arith.addi %mul3A_22, %add3A_65 : i32
    %dma_start3A_67 = arith.constant 128 : i32
    %dma_start3A_68 = arith.constant 0 : i32
    %dma_start3A_69 = tpu.memref_slice %arg6[%dma_start3A_67, %dma_start3A_68] : memref<256x128xf32, #tpu.memory_space<vmem>> -> memref<128x128xf32, #tpu.memory_space<vmem>>
    %dma_start3A_70 = arith.constant 0 : i32
    %dma_start3A_71 = tpu.memref_slice %arg4[%add3A_66, %dma_start3A_70] : memref<8192x128xf32, #tpu.memory_space<hbm>> -> memref<128x128xf32, #tpu.memory_space<hbm>>
    %dma_start3A_72 = arith.constant 0 : i32
    %dma_start3A_73 = tpu.memref_slice %arg4[%add3A_66, %dma_start3A_72] : memref<8192x128xf32, #tpu.memory_space<hbm>> -> memref<128x128xf32, #tpu.memory_space<hbm>>
    %dma_start3A_74 = arith.constant 128 : i32
    %dma_start3A_75 = arith.constant 0 : i32
    %dma_start3A_76 = tpu.memref_slice %arg6[%dma_start3A_74, %dma_start3A_75] : memref<256x128xf32, #tpu.memory_space<vmem>> -> memref<128x128xf32, #tpu.memory_space<vmem>>
    tpu.enqueue_dma source(%dma_start3A_76 : memref<128x128xf32, #tpu.memory_space<vmem>>) target(%dma_start3A_73 : memref<128x128xf32, #tpu.memory_space<hbm>>) target_semaphore(%arg7 : memref<!tpu.dma_semaphore, #tpu.memory_space<semaphore_mem>>)
    %dma_wait3A_77 = arith.constant 0 : i32
    %dma_wait3A_78 = arith.constant 0 : i32
    %dma_wait3A_79 = tpu.memref_slice %arg6[%dma_wait3A_77, %dma_wait3A_78] : memref<256x128xf32, #tpu.memory_space<vmem>> -> memref<128x128xf32, #tpu.memory_space<vmem>>
    %dma_wait3A_80 = arith.constant 0 : i32
    %dma_wait3A_81 = tpu.memref_slice %arg4[%add3A_46, %dma_wait3A_80] : memref<8192x128xf32, #tpu.memory_space<hbm>> -> memref<128x128xf32, #tpu.memory_space<hbm>>
    %dma_wait3A_82 = arith.constant 0 : i32
    %dma_wait3A_83 = tpu.memref_slice %arg4[%add3A_46, %dma_wait3A_82] : memref<8192x128xf32, #tpu.memory_space<hbm>> -> memref<128x128xf32, #tpu.memory_space<hbm>>
    %dma_wait3A_84 = arith.constant 0 : i32
    %dma_wait3A_85 = arith.constant 0 : i32
    %dma_wait3A_86 = tpu.memref_slice %arg6[%dma_wait3A_84, %dma_wait3A_85] : memref<256x128xf32, #tpu.memory_space<vmem>> -> memref<128x128xf32, #tpu.memory_space<vmem>>
    tpu.wait_dma2 semaphore(%arg7 : memref<!tpu.dma_semaphore, #tpu.memory_space<semaphore_mem>>) src(%dma_wait3A_86 : memref<128x128xf32, #tpu.memory_space<vmem>>) dst(%dma_wait3A_83 : memref<128x128xf32, #tpu.memory_space<hbm>>)
    %dma_wait3A_87 = arith.constant 128 : i32
    %dma_wait3A_88 = arith.constant 0 : i32
    %dma_wait3A_89 = tpu.memref_slice %arg6[%dma_wait3A_87, %dma_wait3A_88] : memref<256x128xf32, #tpu.memory_space<vmem>> -> memref<128x128xf32, #tpu.memory_space<vmem>>
    %dma_wait3A_90 = arith.constant 0 : i32
    %dma_wait3A_91 = tpu.memref_slice %arg4[%add3A_66, %dma_wait3A_90] : memref<8192x128xf32, #tpu.memory_space<hbm>> -> memref<128x128xf32, #tpu.memory_space<hbm>>
    %dma_wait3A_92 = arith.constant 0 : i32
    %dma_wait3A_93 = tpu.memref_slice %arg4[%add3A_66, %dma_wait3A_92] : memref<8192x128xf32, #tpu.memory_space<hbm>> -> memref<128x128xf32, #tpu.memory_space<hbm>>
    %dma_wait3A_94 = arith.constant 128 : i32
    %dma_wait3A_95 = arith.constant 0 : i32
    %dma_wait3A_96 = tpu.memref_slice %arg6[%dma_wait3A_94, %dma_wait3A_95] : memref<256x128xf32, #tpu.memory_space<vmem>> -> memref<128x128xf32, #tpu.memory_space<vmem>>
    tpu.wait_dma2 semaphore(%arg7 : memref<!tpu.dma_semaphore, #tpu.memory_space<semaphore_mem>>) src(%dma_wait3A_96 : memref<128x128xf32, #tpu.memory_space<vmem>>) dst(%dma_wait3A_93 : memref<128x128xf32, #tpu.memory_space<hbm>>)
    return
  }
}

module attributes {stable_mosaic.version = 14 : i64} {
  func.func @_ln_body(%arg0: i32, %arg1: memref<4096x128xf32, #tpu.memory_space<vmem>>, %arg2: memref<4096x128xf32, #tpu.memory_space<vmem>>, %arg3: memref<1x128xf32, #tpu.memory_space<vmem>>, %arg4: memref<1x128xf32, #tpu.memory_space<vmem>>, %arg5: memref<4096x128xf32, #tpu.memory_space<vmem>>) attributes {dimension_semantics = [#tpu.dimension_semantics<arbitrary>], iteration_bounds = array<i64: 2>, scalar_prefetch = 0 : i64, scratch_operands = 0 : i64, tpu.core_type = #tpu.core_type<tc>, window_params = [{transform_indices = @transform_0, window_bounds = array<i64: 4096, 128>}, {transform_indices = @transform_1, window_bounds = array<i64: 4096, 128>}, {pipeline_mode = #tpu.pipeline_mode<synchronous>, transform_indices = @transform_2, window_bounds = array<i64: 1, 128>}, {pipeline_mode = #tpu.pipeline_mode<synchronous>, transform_indices = @transform_3, window_bounds = array<i64: 1, 128>}, {transform_indices = @transform_4, window_bounds = array<i64: 4096, 128>}]} {
    %get3A = arith.constant 0 : index
    %get3A_0 = arith.constant 0 : index
    %get3A_1 = vector.load %arg1[%get3A, %get3A_0] : memref<4096x128xf32, #tpu.memory_space<vmem>>, vector<4096x128xf32>
    %get3A_2 = arith.constant 0 : index
    %get3A_3 = arith.constant 0 : index
    %get3A_4 = vector.load %arg2[%get3A_2, %get3A_3] : memref<4096x128xf32, #tpu.memory_space<vmem>>, vector<4096x128xf32>
    %add3A = arith.addf %get3A_1, %get3A_4 : vector<4096x128xf32>
    %reduce_sum3A = arith.constant dense<0.000000e+00> : vector<4096xf32>
    %reduce_sum3A_5 = vector.multi_reduction <add>, %add3A, %reduce_sum3A [1] : vector<4096x128xf32> to vector<4096xf32>
    %broadcast_in_dim3A = vector.shape_cast %reduce_sum3A_5 : vector<4096xf32> to vector<4096x1xf32>
    %div3A = arith.constant 1.280000e+02 : f32
    %div3A_6 = vector.broadcast %div3A : f32 to vector<4096x1xf32>
    %div3A_7 = arith.divf %broadcast_in_dim3A, %div3A_6 : vector<4096x1xf32>
    %sub3A = vector.broadcast %div3A_7 : vector<4096x1xf32> to vector<4096x128xf32>
    %sub3A_8 = arith.subf %add3A, %sub3A : vector<4096x128xf32>
    %mul3A = arith.mulf %sub3A_8, %sub3A_8 : vector<4096x128xf32>
    %reduce_sum3A_9 = arith.constant dense<0.000000e+00> : vector<4096xf32>
    %reduce_sum3A_10 = vector.multi_reduction <add>, %mul3A, %reduce_sum3A_9 [1] : vector<4096x128xf32> to vector<4096xf32>
    %broadcast_in_dim3A_11 = vector.shape_cast %reduce_sum3A_10 : vector<4096xf32> to vector<4096x1xf32>
    %div3A_12 = arith.constant 1.280000e+02 : f32
    %div3A_13 = vector.broadcast %div3A_12 : f32 to vector<4096x1xf32>
    %div3A_14 = arith.divf %broadcast_in_dim3A_11, %div3A_13 : vector<4096x1xf32>
    %add3A_15 = arith.constant 9.99999974E-6 : f32
    %add3A_16 = vector.broadcast %add3A_15 : f32 to vector<4096x1xf32>
    %add3A_17 = arith.addf %div3A_14, %add3A_16 : vector<4096x1xf32>
    %rsqrt3A = math.rsqrt %add3A_17 : vector<4096x1xf32>
    %mul3A_18 = vector.broadcast %rsqrt3A : vector<4096x1xf32> to vector<4096x128xf32>
    %mul3A_19 = arith.mulf %sub3A_8, %mul3A_18 : vector<4096x128xf32>
    %get3A_20 = arith.constant 0 : index
    %get3A_21 = arith.constant 0 : index
    %get3A_22 = vector.load %arg3[%get3A_20, %get3A_21] : memref<1x128xf32, #tpu.memory_space<vmem>>, vector<1x128xf32>
    %mul3A_23 = vector.broadcast %get3A_22 : vector<1x128xf32> to vector<4096x128xf32>
    %mul3A_24 = arith.mulf %mul3A_19, %mul3A_23 : vector<4096x128xf32>
    %get3A_25 = arith.constant 0 : index
    %get3A_26 = arith.constant 0 : index
    %get3A_27 = vector.load %arg4[%get3A_25, %get3A_26] : memref<1x128xf32, #tpu.memory_space<vmem>>, vector<1x128xf32>
    %add3A_28 = vector.broadcast %get3A_27 : vector<1x128xf32> to vector<4096x128xf32>
    %add3A_29 = arith.addf %mul3A_24, %add3A_28 : vector<4096x128xf32>
    %swap3A = arith.constant 0 : index
    %swap3A_30 = arith.constant 0 : index
    %swap3A_31 = vector.load %arg5[%swap3A, %swap3A_30] : memref<4096x128xf32, #tpu.memory_space<vmem>>, vector<4096x128xf32>
    tpu.vector_store %arg5[%swap3A, %swap3A_30], %add3A_29 {strides = array<i32>} : memref<4096x128xf32, #tpu.memory_space<vmem>>, vector<4096x128xf32>,
    return
  }
  func.func @transform_0(%arg0: i32) -> (i32, i32) {
    %c0_i32 = arith.constant 0 : i32
    %c0_i32_0 = arith.constant 0 : i32
    return %arg0, %c0_i32 : i32, i32
  }
  func.func @transform_1(%arg0: i32) -> (i32, i32) {
    %c0_i32 = arith.constant 0 : i32
    %c0_i32_0 = arith.constant 0 : i32
    return %arg0, %c0_i32 : i32, i32
  }
  func.func @transform_2(%arg0: i32) -> (i32, i32) {
    %c0_i32 = arith.constant 0 : i32
    %c0_i32_0 = arith.constant 0 : i32
    %c0_i32_1 = arith.constant 0 : i32
    return %c0_i32, %c0_i32_0 : i32, i32
  }
  func.func @transform_3(%arg0: i32) -> (i32, i32) {
    %c0_i32 = arith.constant 0 : i32
    %c0_i32_0 = arith.constant 0 : i32
    %c0_i32_1 = arith.constant 0 : i32
    return %c0_i32, %c0_i32_0 : i32, i32
  }
  func.func @transform_4(%arg0: i32) -> (i32, i32) {
    %c0_i32 = arith.constant 0 : i32
    %c0_i32_0 = arith.constant 0 : i32
    return %arg0, %c0_i32 : i32, i32
  }
}

</mosaic_0001>

<sc_bundles>
// kernel: kernel.4.cloned.1.call-start
scs
__scs_entry_jumppad:
0x0: {  	(pc) =	sbr.rel $0x88, $3  }
0x1: {  	(tag) =	ssettag $0x0;
	lr =	simm.s32 $0x1  }
0x2: {  	[smem:$0x3F9A] =	sst lr;
	_ =	strace $0xD0000000  }
0x3: {  	_ = 	snop  }
0x4: {  	_ = 	snop  }
0x5: {  	_ = 	snop  }
0x6: {  	_ = 	snop  }
0x7: {  	_ = 	snop  }
__scs_overlays_trampoline_lowered:
0x8: {  	[smem:$0x3FA9] =	sst s0  }
0x9: {  	[smem:$0x3FAA] =	sst s1  }
0xa: {  	[smem:$0x3FAB] =	sst s2  }
0xb: {  	[smem:$0x3FAC] =	sst s3  }
0xc: {  	[smem:$0x3FAD] =	sst s4  }
0xd: {  	[smem:$0x3FAE] =	sst s5  }
0xe: {  	[smem:$0x3FAF] =	sst s6  }
0xf: {  	[smem:$0x3FB0] =	sst s7  }
0x10: {  	[smem:$0x3FB1] =	sst s8  }
0x11: {  	[smem:$0x3FB2] =	sst s9;
	s0 =	simm.s32 @!p0 $0x0  }
0x12: {  	s1 =	sld [smem:$0x3F98];
	s0 =	simm.s32 @p0 $0x1  }
0x13: {  	[smem:$0x3FB3] =	sst s0;
	s0 =	simm.s32 @!p1 $0x0  }
0x14: {  	s2 =	sld [smem:$0x3F97];
	s0 =	simm.s32 @p1 $0x1  }
0x15: {  	[smem:$0x3FB4] =	sst s0;
	s0 =	simm.s32 @!p2 $0x0  }
0x16: {  	s3 =	sld [smem:$0x3FDB];
	s0 =	simm.s32 @p2 $0x1  }
0x17: {  	s4 =	simm.s32 $0x1BF5;
	[smem:$0x3FB6] =	sst s0  }
0x18: {  	s0 =	sld [smem:$0x3F99];
	_ =	swait.ge [sflag:s4], $0x0  }
0x19: {  	s7 =	sld [smem:$0x3F9A]  }
0x1a: {  	s8 =	sadd.s32 $0xFFFFE003, lr  }
0x1b: {  	s9 =	sadd.s32 $0xFFFFFEF7, lr;
	s5 =	simm.s32 $0xFFFFFFFF;
	p2 =	slt.u32 s8, $0xFFFFF086  }
0x1c: {  	p1 =	slt.u32 s9, $0xF7A;
	s5 =	simm.s32 @!p2 $0x0  }
0x1d: {  	s5 =	simm.s32 @p1 $0x1;
	p0 =	seq.s32 s7, s2  }
0x1e: {  	s7 =	smul.u32 @!p0 $0xF7A, s2;
	p2 =	seq.s32 @!p0 s5, $0x0  }
0x1f: {  	s9 =	smul.u32 $0xF7A, s1;
	s8 =	simm.s32 @!p0 $0x1BF5;
	p2 =	por !p2, p0  }
0x20: {  	[sflag:s8] =	ssyncset.s32 @!p0 $0xFFFFF086;
	s6 =	sadd.s32 @!p0 s3, s7;
	s7 =	simm.s32 @!p0 $0x108  }
0x21: {  	s3 =	sadd.s32 s3, s9;
	s6 =	sadd.s32 @!p0 $0x88, s6;
	s7 =	simm.s32 @p2 $0x1082  }
0x22: {  	[simem:s7], [sflag:s8] =	dma.local @!p0 [hbm:s6], $0xF7A  }
0x23: {  	s9 =	sor.u32 $0xD0000000, s2;
	s6 =	simm.s32 $0x108;
	_ =	swait.ge @!p0 [sflag:s8], $0x0  }
0x24: {  	s3 =	sadd.s32 $0x88, s3;
	s6 =	simm.s32 @!p1 $0x1082;
	[sflag:s4] =	ssyncset.s32 $0xFFFFF086  }
0x25: {  	[simem:s6], [sflag:s4] =	dma.local [hbm:s3], $0xF7A  }
0x26: {  	[smem:$0x3F9A] =	sst s1;
	(tag) =	ssettag s2;
	_ =	strace s9  }
0x27: {  	s1 =	sld [smem:$0x3FAA]  }
0x28: {  	s2 =	sld [smem:$0x3FAB]  }
0x29: {  	s4 =	sld [smem:$0x3FAD]  }
0x2a: {  	p0 =	seq.s32 s5, $0x0;
	s5 =	sld [smem:$0x3FAE]  }
0x2b: {  	s6 =	sld [smem:$0x3FAF]  }
0x2c: {  	s7 =	sld [smem:$0x3FB0]  }
0x2d: {  	s3 =	simm.s32 $0x108;
	s8 =	sld [smem:$0x3FB1]  }
0x2e: {  	s3 =	simm.s32 @!p0 $0x1082;
	s9 =	sld [smem:$0x3FB2]  }
0x2f: {  	lr =	sadd.s32 s0, s3;
	s0 =	sld [smem:$0x3FA9]  }
0x30: {  	s3 =	sld [smem:$0x3FAC]  }
0x31: {  	[smem:$0x3FB5] =	sst s10  }
0x32: {  	s10 =	sld [smem:$0x3FB3];
	_ =	sdelay $0x3  }
0x33: {  	p0 =	seq.s32 s10, $0x1;
	s10 =	sld [smem:$0x3FB5];
	_ =	sdelay $0x3  }
0x34: {  	[smem:$0x3FB5] =	sst s10  }
0x35: {  	s10 =	sld [smem:$0x3FB4];
	_ =	sdelay $0x3  }
0x36: {  	p1 =	seq.s32 s10, $0x1;
	s10 =	sld [smem:$0x3FB5];
	_ =	sdelay $0x3  }
0x37: {  	[smem:$0x3FB5] =	sst s10  }
0x38: {  	s10 =	sld [smem:$0x3FB6]  }
0x39: {  	_ = 	snop;
	(pc) =	sbr.ind lr, $3  }
0x3a: {  	_ = 	snop  }
0x3b: {  	_ = 	snop  }
0x3c: {  	p2 =	seq.s32 s10, $0x1;
	s10 =	sld [smem:$0x3FB5]  }
0x3d: {  	_ =	shalt  }
0x3e: {  	_ =	shalt  }
0x3f: {  	_ =	shalt  }
0x40: {  	_ =	shalt  }
0x41: {  	_ =	shalt  }
0x42: {  	_ =	shalt  }
0x43: {  	_ =	shalt  }
0x44: {  	_ =	shalt  }
0x45: {  	_ =	shalt  }
0x46: {  	_ =	shalt  }
0x47: {  	_ =	shalt  }
0x48: {  	_ =	shalt  }
0x49: {  	_ =	shalt  }
0x4a: {  	_ =	shalt  }
0x4b: {  	_ =	shalt  }
0x4c: {  	_ =	shalt  }
0x4d: {  	_ =	shalt  }
0x4e: {  	_ =	shalt  }
0x4f: {  	_ =	shalt  }
0x50: {  	_ =	shalt  }
0x51: {  	_ =	shalt  }
0x52: {  	_ =	shalt  }
0x53: {  	_ =	shalt  }
0x54: {  	_ =	shalt  }
0x55: {  	_ =	shalt  }
0x56: {  	_ =	shalt  }
0x57: {  	_ =	shalt  }
0x58: {  	_ =	shalt  }
0x59: {  	_ =	shalt  }
0x5a: {  	_ =	shalt  }
0x5b: {  	_ =	shalt  }
0x5c: {  	_ =	shalt  }
0x5d: {  	_ =	shalt  }
0x5e: {  	_ =	shalt  }
0x5f: {  	_ =	shalt  }
0x60: {  	_ =	shalt  }
0x61: {  	_ =	shalt  }
0x62: {  	_ =	shalt  }
0x63: {  	_ =	shalt  }
0x64: {  	_ =	shalt  }
0x65: {  	_ =	shalt  }
0x66: {  	_ =	shalt  }
0x67: {  	_ =	shalt  }
0x68: {  	_ =	shalt  }
0x69: {  	_ =	shalt  }
0x6a: {  	_ =	shalt  }
0x6b: {  	_ =	shalt  }
0x6c: {  	_ =	shalt  }
0x6d: {  	_ =	shalt  }
0x6e: {  	_ =	shalt  }
0x6f: {  	_ =	shalt  }
0x70: {  	_ =	shalt  }
0x71: {  	_ =	shalt  }
0x72: {  	_ =	shalt  }
0x73: {  	_ =	shalt  }
0x74: {  	_ =	shalt  }
0x75: {  	_ =	shalt  }
0x76: {  	_ =	shalt  }
0x77: {  	_ =	shalt  }
0x78: {  	_ =	shalt  }
0x79: {  	_ =	shalt  }
0x7a: {  	_ =	shalt  }
0x7b: {  	_ =	shalt  }
0x7c: {  	_ =	shalt  }
0x7d: {  	_ =	shalt  }
0x7e: {  	_ =	shalt  }
0x7f: {  	_ =	shalt  }
0x80: {  	_ =	shalt  }
0x81: {  	_ =	shalt  }
0x82: {  	_ =	shalt  }
0x83: {  	_ =	shalt  }
0x84: {  	_ =	shalt  }
0x85: {  	_ =	shalt  }
0x86: {  	_ =	shalt  }
0x87: {  	_ =	shalt  }
.Lfunc_end0:
.L_simem_size_0:
called_computation_lowered:
.L_overlay_start_0:
0x88: {  	s2 =	sld [smem:$0x3FD9]  }
0x89: {  	s3 =	sld [smem:$0x3FFE];
	_ =	sdelay $0x1  }
0x8a: {  	s1 =	srdreg.scid  }
0x8b: {  	s0 =	sand.u32 $0x1, s1  }
0x8c: {  	s18 =	sshll.u32 s0, $0xA;
	s2 =	sadd.s32 s3, s2  }
0x8d: {  	s2 =	sadd.s32 s2, s18  }
0x8e: {  	[smem:$0x3FC1] =	sst s2  }
0x8f: {  	_ = 	snop  }
0x90: {  	s2 =	sld [smem:$0x3FC9]  }
0x91: {  	s19 =	sld [smem:$0x3FC7]  }
0x92: {  	s4 =	sld [smem:$0x3FD0];
	(tm) =	ssettm $0x1  }
0x93: {  	s5 =	sld [smem:$0x3FFB];
	_ =	sdelay $0x3  }
0x94: {  	_ =	strace s5  }
0x95: {  	s5 =	sld [smem:$0x3FFC];
	_ =	sdelay $0x3  }
0x96: {  	_ =	strace s5  }
0x97: {  	s5 =	sld [smem:$0x3FFD];
	_ =	sdelay $0x3  }
0x98: {  	_ =	strace s5  }
0x99: {  	_ =	strace $0x8FFFFFFF  }
0x9a: {  	s20 =	sld [smem:$0x3FDB];
	_ =	sdelay $0x1  }
0x9b: {  	s6 =	simm.s32 $_scs_section_size  }
0x9c: {  	s7 =	simm.s32 $_size__tile_overlayer_lowered;
	s8 =	simm.s32 $_tile_overlayer_lowered  }
0x9d: {  	s23 =	simm.s32 $0x1BFF;
	s22 =	sshll.u32 s8, $0x1;
	s5 =	sadd.s32 s6, s20  }
0x9e: {  	s9 =	simm.s32 $0x0;
	s21 =	sshll.u32 s7, $0x1;
	s7 =	sadd.s32 s22, s5  }
0x9f: {  	[timem:s9], [sflag:s23] =	dma.local [hbm:s7], s21  }
0xa0: {  	_ =	swait.ge [sflag:s23], s21  }
0xa1: {  	s6 =	ssub.s32 $0x0, s21;
	[sflag:s23] =	ssyncset.done $0x0  }
0xa2: {  	[sflag:s23] =	ssyncadd.s32 s6;
	_ =	sdelay $0x1  }
0xa3: {  	s24 =	simm.s32 $0x1B8B  }
0xa4: {  	_ =	swait.ge [sflag:s24], $0x1  }
0xa5: {  	[sflag:s24] =	ssyncset.done $0x0  }
0xa6: {  	s25 =	simm.s32 $0x1B8E;
	[sflag:s24] =	ssyncadd.s32 $0xFFFFFFFF  }
0xa7: {  	s26 =	simm.s32 $execute0_lowered;
	[smem:$0x3FD2] =	sst s25  }
0xa8: {  	s6 =	sshll.u32 s26, $0x1;
	_ =	strace $0x80000046;
	[dreg:$0x1] =	wrdreg $0xFFFFFFFF  }
0xa9: {  	s28 =	simm.s32 $_size_execute0_lowered;
	s5 =	sadd.s32 s5, s6;
	[dreg:$0x0] =	wrdreg $0x0  }
0xaa: {  	s6 =	sshll.u32 s28, $0x1;
	[dreg:$0x2] =	wrdreg s5  }
0xab: {  	[dreg:$0x3] =	wrdreg s6  }
0xac: {  	[dreg:$0x4] =	wrdreg $0xC0  }
0xad: {  	_ =	task [dreg:s9], $0x5FFFF  }
0xae: {  	[dreg:$0x1] =	wrdreg $0xFFFFFFFF  }
0xaf: {  	[dreg:$0x0] =	wrdreg $0x60  }
0xb0: {  	[dreg:$0x2] =	wrdreg s2  }
0xb1: {  	[dreg:$0x3] =	wrdreg s19  }
0xb2: {  	[dreg:$0x4] =	wrdreg s4  }
0xb3: {  	[dreg:$0x5] =	wrdreg $0x9  }
0xb4: {  	_ =	task.clear_ibuf [dreg:s9], $0x6FFFF;
	_ =	strace $0x90000046  }
0xb5: {  	s29 =	simm.s32 $0x9;
	_ =	strace $0x80000048  }
0xb6: {  	_ =	swait.ge [sflag:s29], $0x1  }
0xb7: {  	[sflag:s29] =	ssyncadd.s32 $0xFFFFFFFF  }
0xb8: {  	_ =	strace $0x90000048  }
0xb9: {  	_ =	sfence  }
0xba: {  	s30 =	sld [smem:$0x0];
	_ =	sdelay $0x2  }
0xbb: {  	s31 =	sshll.u32 s1, $0xD;
	s1 =	sshrl.u32 s1, $0x2  }
0xbc: {  	s3 =	sand.u32 $0x4000, s31;
	s1 =	sadd.s32 s1, s30  }
0xbd: {  	s0 =	sor.u32 s3, s0;
	s1 =	sshll.u32 s1, $0x11  }
0xbe: {  	s0 =	sor.u32 s1, s0  }
0xbf: {  	s0 =	sadd.s32 $0x8F2B, s0  }
0xc0: {  	[sflag:s0] =	ssyncadd.remote.s32 $0x1  }
0xc1: {  	_ =	sfence.sel $0xFFFF  }
0xc2: {  	[dreg:$0x0] =	wrdreg $0xFFFFFFFF;
	(pc) =	sbr.abs _section_cstart, $3  }
0xc3: {  	[dreg:$0x1] =	wrdreg $0xFFFFFFFF  }
0xc4: {  	_ =	task.clear_ibuf [dreg:s9], $0x2FFFF;
	_ =	strace $0x9FFFFFFF  }
0xc5: {  	(tm) =	ssettm $0x7FFFFFFF  }
tec
execute0_lowered:
.L_overlay_start_1:
0x0: {  	(tag) =	ssettag $0x1  }
0x1: {  	s4 =	rddreg [dreg:$0x0]  }
0x2: {  	s2 =	rddreg [dreg:$0x1];
	s1 =	srdreg.scid  }
0x3: {  	s0 =	stileid.u32;
	s11 =	rddreg [dreg:$0x2];
	s7 =	simm.s32 $0x4  }
0x4: {  	s13 =	sand.u32 $0x1, s1;
	s3 =	sshll.u32 s0, $0x1;
	s1 =	rddreg [dreg:$0x3]  }
0x5: {  	s5 =	sshll.u32 s0, $0x2;
	s12 =	sor.u32 s13, s3;
	s3 =	simm.s32 $0x0  }
0x6: {  	s5 =	sand.u32 $0x30, s5;
	s6 =	sshll.u32 s12, $0x7;
	[smem:$0x7FF] =	sst s3  }
0x7: {  	s4 =	sadd.s32 s4, s5;
	s5 =	simm.s32 $0x80;
	s6 =	sand.u32 $0x380, s6  }
0x8: {  	_ =	strace $0x80000047;
	s4 =	sadd.s32 s6, s4;
	s6 =	simm.s32 $0x200  }
0x9: {  	[tilespmem:s3], [sflag:$0x4] =	stream.strided.gather [hbm4b:s4+s5], $0x100, s6, s5, $0x38;
	[tilespmem:$0x8100] =	vst v63  }
0xa: {  	_ =	swait.ge [sflag:s7], $0x100  }
0xb: {  	[sflag:s7] =	ssyncset.done $0x0  }
0xc: {  	s8 =	simm.s32 $0x100;
	[sflag:s7] =	ssyncadd.s32 $0xFFFFFF00  }
0xd: {  	[tilespmem:s8], [sflag:$0x2] =	stream.indirect.gather [hbm4b:s2+s5], $0x80, s3, s5, $0xb8;
	[tilespmem:$0x8100] =	vst v63  }
0xe: {  	s9 =	simm.s32 $0x4100;
	s10 =	simm.s32 $0x2  }
0xf: {  	[tilespmem:s9], [sflag:$0x3] =	stream.indirect.gather [hbm4b:s2+s5], $0x80, s5, s5, $0xb8;
	[tilespmem:$0x8100] =	vst v63  }
0x10: {  	s15 =	ssub.s32 $0x2, s13;
	_ =	swait.ge [sflag:s10], $0x4000  }
0x11: {  	s12 =	sshll.u32 s12, $0xC;
	s16 =	sshrl.u32 s15, $0x1;
	[sflag:s10] =	ssyncset.done $0x0  }
0x12: {  	s11 =	sadd.s32 s11, s12;
	s12 =	simm.s32 $0x3;
	[sflag:s10] =	ssyncadd.s32 $0xFFFFC000  }
0x13: {  	[hbm4b:s11+s3] =	stream.linear.scatter [tilespmem:s8], [sflag:$0x1], $0x4000, $0x38;
	[tilespmem:$0x8100] =	vst v63  }
0x14: {  	s15 =	ssub.s32 s15, s16;
	_ =	swait.ge [sflag:s12], $0x4000  }
0x15: {  	s13 =	simm.s32 $0x1;
	s15 =	smax.u32 s15, $0x1;
	[sflag:s12] =	ssyncset.done $0x0  }
0x16: {  	s14 =	sadd.s32 $0x800, s11;
	p0 =	sne.s32 s15, $0x1;
	[sflag:s12] =	ssyncadd.s32 $0xFFFFC000  }
0x17: {  	[hbm4b:s14+s3] =	stream.linear.scatter [tilespmem:s9], [sflag:$0x1], $0x4000, $0x38;
	[tilespmem:$0x8100] =	vst v63  }
.Ltmp0:
0x18: {  	_ =	swait.ge [sflag:s13], $0x4000;
	(pc) =	sbr.rel @!p0 .LBB2_2-.Ltmp0, $4  }
0x19: {  	[sflag:s13] =	ssyncset.done $0x0  }
0x1a: {  	[sflag:s13] =	ssyncadd.s32 $0xFFFFC000  }
0x1b: {  	_ =	swait.ge [sflag:s13], $0x4000  }
0x1c: {  	s15 =	sadd.s32 $0xFFFFFFFF, s15;
	[sflag:s13] =	ssyncset.done $0x0  }
.LBB2_1:
0x1d: {  	p0 =	sne.s32 s15, $0x1;
	s15 =	sadd.s32 $0xFFFFFFFF, s15;
	[sflag:s13] =	ssyncadd.s32 $0xFFFFC000  }
0x1e: {  	[tilespmem:s3], [sflag:$0x4] =	stream.strided.gather [hbm4b:s4+s5], $0x100, s6, s5, $0x38;
	[tilespmem:$0x8100] =	vst v63  }
0x1f: {  	_ =	swait.ge [sflag:s7], $0x100  }
0x20: {  	[sflag:s7] =	ssyncset.done $0x0  }
0x21: {  	[sflag:s7] =	ssyncadd.s32 $0xFFFFFF00  }
0x22: {  	[tilespmem:s8], [sflag:$0x2] =	stream.indirect.gather [hbm4b:s2+s5], $0x80, s3, s5, $0xb8;
	[tilespmem:$0x8100] =	vst v63  }
0x23: {  	_ = 	snop  }
0x24: {  	[tilespmem:s9], [sflag:$0x3] =	stream.indirect.gather [hbm4b:s2+s5], $0x80, s5, s5, $0xb8;
	[tilespmem:$0x8100] =	vst v63  }
0x25: {  	_ =	swait.ge [sflag:s10], $0x4000  }
0x26: {  	[sflag:s10] =	ssyncset.done $0x0  }
0x27: {  	[sflag:s10] =	ssyncadd.s32 $0xFFFFC000  }
0x28: {  	[hbm4b:s11+s3] =	stream.linear.scatter [tilespmem:s8], [sflag:$0x1], $0x4000, $0x38;
	[tilespmem:$0x8100] =	vst v63  }
0x29: {  	_ =	swait.ge [sflag:s12], $0x4000  }
0x2a: {  	[sflag:s12] =	ssyncset.done $0x0  }
0x2b: {  	[sflag:s12] =	ssyncadd.s32 $0xFFFFC000  }
0x2c: {  	[hbm4b:s14+s3] =	stream.linear.scatter [tilespmem:s9], [sflag:$0x1], $0x4000, $0x38;
	[tilespmem:$0x8100] =	vst v63  }
.Ltmp1:
0x2d: {  	_ =	swait.ge [sflag:s13], $0x4000;
	(pc) =	sbr.rel @p0 .LBB2_1-.Ltmp1, $4  }
0x2e: {  	[sflag:s13] =	ssyncset.done $0x0  }
0x2f: {  	[sflag:s13] =	ssyncadd.s32 $0xFFFFC000  }
0x30: {  	_ =	swait.ge [sflag:s13], $0x4000  }
0x31: {  	[sflag:s13] =	ssyncset.done $0x0  }
.LBB2_2:
0x32: {  	[sflag:s13] =	ssyncadd.s32 $0xFFFFC000  }
0x33: {  	_ =	sfence.sel $0x180000  }
0x34: {  	[bflag:$0x0] =	sbarrier.arrive $0xFFFF  }
0x35: {  	p0 =	sne.s32 s0, $0x0;
	_ =	strace $0x90000047  }
0x36: {  	s0 =	sadd.s32 @!p0 $0x100000, s1;
	[bflag:$0x2] =	sbarrier.arrive $0xFFFF  }
0x37: {  	[sflag:s0] =	ssyncadd.tile.s32 @!p0 $0x1;
	_ =	shalt  }
.Lfunc_end2:
_tile_overlayer_lowered:
.L_overlay_start_2:
0x38: {  	(tag) =	ssettag $0x2  }
0x39: {  	s0 =	rddreg [dreg:$0x0];
	s2 =	stileid.u32  }
0x3a: {  	s1 =	rddreg [dreg:$0x1];
	p0 =	sne.s32 s2, $0x0  }
0x3b: {  	s3 =	rddreg [dreg:$0x2];
	[bflag:$0x3] =	sbarrier.arrive $0xFFFF;
	s2 =	simm.s32 @!p0 $0x1C04  }
0x3c: {  	[timem:s3], [sflag:s2] =	dma.local @!p0 [hbm:s0], s1  }
0x3d: {  	s0 =	simm.s32 @!p0 $0x4  }
0x3e: {  	_ =	swait.ge @!p0 [sflag:s0], s1  }
0x3f: {  	s1 =	ssub.s32 @!p0 $0x0, s1;
	[sflag:s0] =	ssyncset.done @!p0 $0x0  }
0x40: {  	[sflag:s0] =	ssyncadd.s32 @!p0 s1  }
0x41: {  	[bflag:$0x3] =	sbarrier.arrive $0xFFFF  }
0x42: {  	_ =	shalt  }

</sc_bundles>
